<compile_context>
chip_gen: v7x
topology: tpu7x:2x2x1
jax: 0.10.2.dev20260603
libtpu: 0.0.44.dev20260713+nightly
codegen_flags: <defaults>
</compile_context>

<pallas_src>
import functools

import jax
import jax.numpy as jnp
from jax import lax
from jax.experimental import pallas as pl
from jax.experimental.pallas import tpu as pltpu
from jax.experimental.pallas import tpu_sc as plsc

_NC, _NS = 2, 16
_NW = _NC * _NS
_STREAM = 128
_TILE_B = 8192


def _sc_gather(user, rsid, users_table, rsids_table, B, L):
    b_per_w = B // _NW
    n_streams = b_per_w // _STREAM
    r_per_w = L // _NS

    mesh = plsc.VectorSubcoreMesh(core_axis_name="c", subcore_axis_name="s")

    @functools.partial(
        pl.kernel,
        out_type=(
            jax.ShapeDtypeStruct((B, L), jnp.float32),
            jax.ShapeDtypeStruct((L, L), jnp.float32),
        ),
        mesh=mesh,
        scratch_types=(
            [
                pltpu.VMEM((b_per_w,), jnp.int32),
                pltpu.VMEM((b_per_w, L), jnp.float32),
                pltpu.VMEM((r_per_w,), jnp.int32),
                pltpu.VMEM((r_per_w, L), jnp.float32),
                pltpu.SemaphoreType.DMA,
                pltpu.SemaphoreType.DMA,
            ]
            + [pltpu.SemaphoreType.DMA for _ in range(n_streams)]
        ),
    )
    def gather_kernel(user_hbm, rsid_hbm, utab_hbm, rtab_hbm, u_out, r_out,
                      uidx_v, urows_v, ridx_v, rrows_v, rsem, wsem, *gsems):
        wid = lax.axis_index("s") * _NC + lax.axis_index("c")
        base = wid * b_per_w

        pltpu.sync_copy(user_hbm.at[pl.ds(base, b_per_w)], uidx_v)
        gathers = [
            pltpu.async_copy(
                utab_hbm.at[uidx_v.at[pl.ds(j * _STREAM, _STREAM)]],
                urows_v.at[pl.ds(j * _STREAM, _STREAM)],
                gsems[j],
            )
            for j in range(n_streams)
        ]
        writes = []
        for j in range(n_streams):
            gathers[j].wait()
            writes.append(pltpu.async_copy(
                urows_v.at[pl.ds(j * _STREAM, _STREAM)],
                u_out.at[pl.ds(base + j * _STREAM, _STREAM)],
                wsem,
            ))

        @pl.when(wid < _NS)
        def _():
            pltpu.sync_copy(rsid_hbm.at[pl.ds(wid * r_per_w, r_per_w)],
                            ridx_v)
            pltpu.async_copy(rtab_hbm.at[ridx_v], rrows_v, rsem).wait()
            pltpu.sync_copy(rrows_v, r_out.at[pl.ds(wid * r_per_w, r_per_w)])

        for c in writes:
            c.wait()

    return gather_kernel(user, rsid, users_table, rsids_table)


def _tc_matmul(u, r, B, L):
    def mm_body(u_ref, r_ref, o_ref):
        o_ref[...] = jnp.dot(u_ref[...], r_ref[...],
                             preferred_element_type=jnp.float32)

    return pl.pallas_call(
        mm_body,
        grid=(B // _TILE_B,),
        in_specs=[
            pl.BlockSpec((_TILE_B, L), lambda i: (i, 0)),
            pl.BlockSpec((L, L), lambda i: (0, 0)),
        ],
        out_specs=pl.BlockSpec((_TILE_B, L), lambda i: (i, 0)),
        out_shape=jax.ShapeDtypeStruct((B, L), jnp.float32),
    )(u, r)


def kernel(user, rsid, users_table, rsids_table):
    B = user.shape[0]
    L = rsids_table.shape[1]
    u, r = _sc_gather(user, rsid, users_table, rsids_table, B, L)
    return _tc_matmul(u, r, B, L)

# --- scband reference (transcript-rebuilt; emitter-appended) ---
"""Pipeline reference for scband-matrix-factorization-26207890440324 (READ-ONLY COPY).

The authoritative reference and input builder live on the scoring server;
editing this copy changes nothing except your own understanding.
"""

import jax, jax.numpy as jnp
import numpy as np

NUM_USERS = 100000
NUM_RSIDS = 100000
LATENT = 128
BATCH = 16384

def setup_inputs(seed: int = 0) -> dict:
    key = jax.random.key(seed)
    k1, k2, k3, k4 = jax.random.split(key, 4)
    user = jax.random.randint(k1, (BATCH,), 0, NUM_USERS, dtype=jnp.int64 if jax.config.jax_enable_x64 else jnp.int32).astype(jnp.int32)
    rsid = jax.random.randint(k2, (LATENT,), 0, NUM_RSIDS, dtype=jnp.int64 if jax.config.jax_enable_x64 else jnp.int32).astype(jnp.int32)
    users_table = jax.random.normal(k3, (NUM_USERS, LATENT), dtype=jnp.float32)
    rsids_table = jax.random.normal(k4, (NUM_RSIDS, LATENT), dtype=jnp.float32)
    return {"user": user, "rsid": rsid, "users_table": users_table, "rsids_table": rsids_table}

def reference(user, rsid, users_table, rsids_table):
    # users_embedding(user): gather -> [B, L]
    u = jnp.take(users_table, user, axis=0)
    # rsids_embedding(rsid): gather -> [L, L] (rsid has latent_size indices)
    r = jnp.take(rsids_table, rsid, axis=0)
    # matmul exactly as in torch forward: [B, L] @ [L, L] -> [B, L]
    return u @ r

if __name__ == "__main__":
    import jax
    _d = setup_inputs()
    print(jax.jit(kernel)(*tuple(_d.values())))

</pallas_src>

<mosaic_0001>
#map = affine_map<(d0, d1) -> (0)>
#map1 = affine_map<(d0, d1) -> (0, 0)>
module attributes {stable_mosaic.version = 14 : i64} {
  func.func @gather_kernel(%arg0: i32, %arg1: i32, %arg2: memref<16384xi32, #tpu.memory_space<hbm>>, %arg3: memref<128xi32, #tpu.memory_space<hbm>>, %arg4: memref<100000x128xf32, #tpu.memory_space<hbm>>, %arg5: memref<100000x128xf32, #tpu.memory_space<hbm>>, %arg6: memref<16384x128xf32, #tpu.memory_space<hbm>>, %arg7: memref<128x128xf32, #tpu.memory_space<hbm>>, %arg8: memref<512xi32, #tpu.memory_space<vmem>>, %arg9: memref<512x128xf32, #tpu.memory_space<vmem>>, %arg10: memref<8xi32, #tpu.memory_space<vmem>>, %arg11: memref<8x128xf32, #tpu.memory_space<vmem>>, %arg12: memref<!tpu.dma_semaphore, #tpu.memory_space<semaphore_mem>>, %arg13: memref<!tpu.dma_semaphore, #tpu.memory_space<semaphore_mem>>, %arg14: memref<!tpu.dma_semaphore, #tpu.memory_space<semaphore_mem>>, %arg15: memref<!tpu.dma_semaphore, #tpu.memory_space<semaphore_mem>>, %arg16: memref<!tpu.dma_semaphore, #tpu.memory_space<semaphore_mem>>, %arg17: memref<!tpu.dma_semaphore, #tpu.memory_space<semaphore_mem>>) attributes {dimension_semantics = [#tpu.dimension_semantics<core_parallel>, #tpu.dimension_semantics<subcore_parallel>], iteration_bounds = array<i64: 2, 16>, scalar_prefetch = 0 : i64, scratch_operands = 10 : i64, tpu.core_type = #tpu.core_type<sc_vector_subcore>, window_params = [{transform_indices = #map}, {transform_indices = #map}, {transform_indices = #map1}, {transform_indices = #map1}, {transform_indices = #map1}, {transform_indices = #map1}]} {
    %mul3A = arith.constant 2 : i32
    %mul3A_0 = arith.muli %arg1, %mul3A : i32
    %add3A = arith.addi %mul3A_0, %arg0 : i32
    %mul3A_1 = arith.constant 512 : i32
    %mul3A_2 = arith.muli %add3A, %mul3A_1 : i32
    "tpu.region"() ({
      %run_scoped3A = tpu.sem_alloc : memref<!tpu.dma_semaphore, #tpu.memory_space<semaphore_mem>>
      %dma_start3A_155 = tpu.memref_slice %arg2[%mul3A_2] : memref<16384xi32, #tpu.memory_space<hbm>> -> memref<512xi32, #tpu.memory_space<hbm>>
      %dma_start3A_156 = tpu.memref_slice %arg2[%mul3A_2] : memref<16384xi32, #tpu.memory_space<hbm>> -> memref<512xi32, #tpu.memory_space<hbm>>
      tpu.enqueue_dma source(%dma_start3A_156 : memref<512xi32, #tpu.memory_space<hbm>>) target(%arg8 : memref<512xi32, #tpu.memory_space<vmem>>) target_semaphore(%run_scoped3A : memref<!tpu.dma_semaphore, #tpu.memory_space<semaphore_mem>>)
      %dma_wait3A_157 = tpu.memref_slice %arg2[%mul3A_2] : memref<16384xi32, #tpu.memory_space<hbm>> -> memref<512xi32, #tpu.memory_space<hbm>>
      %dma_wait3A_158 = tpu.memref_slice %arg2[%mul3A_2] : memref<16384xi32, #tpu.memory_space<hbm>> -> memref<512xi32, #tpu.memory_space<hbm>>
      tpu.wait_dma2 semaphore(%run_scoped3A : memref<!tpu.dma_semaphore, #tpu.memory_space<semaphore_mem>>) src(%dma_wait3A_158 : memref<512xi32, #tpu.memory_space<hbm>>) dst(%arg8 : memref<512xi32, #tpu.memory_space<vmem>>)
      tpu.yield
    }) : () -> ()
    %dma_start3A = arith.constant 0 : i32
    %dma_start3A_3 = arith.constant 0 : i32
    %dma_start3A_4 = tpu.memref_slice %arg9[%dma_start3A, %dma_start3A_3] : memref<512x128xf32, #tpu.memory_space<vmem>> -> memref<128x128xf32, #tpu.memory_space<vmem>>
    %dma_start3A_5 = arith.constant 0 : i32
    %dma_start3A_6 = tpu.memref_slice %arg8[%dma_start3A_5] : memref<512xi32, #tpu.memory_space<vmem>> -> memref<128xi32, #tpu.memory_space<vmem>>
    %dma_start3A_7 = arith.constant 0 : i32
    %dma_start3A_8 = arith.constant 0 : i32
    %dma_start3A_9 = tpu.memref_slice %arg4[%dma_start3A_7, %dma_start3A_8] : memref<100000x128xf32, #tpu.memory_space<hbm>> -> memref<100000x128xf32, #tpu.memory_space<hbm>>
    tpu.enqueue_indirect_dma source(%dma_start3A_9 : memref<100000x128xf32, #tpu.memory_space<hbm>>) target(%dma_start3A_4 : memref<128x128xf32, #tpu.memory_space<vmem>>) offsets(%dma_start3A_6 : memref<128xi32, #tpu.memory_space<vmem>>) semaphore(%arg14 : memref<!tpu.dma_semaphore, #tpu.memory_space<semaphore_mem>>)
    %dma_start3A_10 = arith.constant 128 : i32
    %dma_start3A_11 = arith.constant 0 : i32
    %dma_start3A_12 = tpu.memref_slice %arg9[%dma_start3A_10, %dma_start3A_11] : memref<512x128xf32, #tpu.memory_space<vmem>> -> memref<128x128xf32, #tpu.memory_space<vmem>>
    %dma_start3A_13 = arith.constant 128 : i32
    %dma_start3A_14 = tpu.memref_slice %arg8[%dma_start3A_13] : memref<512xi32, #tpu.memory_space<vmem>> -> memref<128xi32, #tpu.memory_space<vmem>>
    %dma_start3A_15 = arith.constant 0 : i32
    %dma_start3A_16 = arith.constant 0 : i32
    %dma_start3A_17 = tpu.memref_slice %arg4[%dma_start3A_15, %dma_start3A_16] : memref<100000x128xf32, #tpu.memory_space<hbm>> -> memref<100000x128xf32, #tpu.memory_space<hbm>>
    tpu.enqueue_indirect_dma source(%dma_start3A_17 : memref<100000x128xf32, #tpu.memory_space<hbm>>) target(%dma_start3A_12 : memref<128x128xf32, #tpu.memory_space<vmem>>) offsets(%dma_start3A_14 : memref<128xi32, #tpu.memory_space<vmem>>) semaphore(%arg15 : memref<!tpu.dma_semaphore, #tpu.memory_space<semaphore_mem>>)
    %dma_start3A_18 = arith.constant 256 : i32
    %dma_start3A_19 = arith.constant 0 : i32
    %dma_start3A_20 = tpu.memref_slice %arg9[%dma_start3A_18, %dma_start3A_19] : memref<512x128xf32, #tpu.memory_space<vmem>> -> memref<128x128xf32, #tpu.memory_space<vmem>>
    %dma_start3A_21 = arith.constant 256 : i32
    %dma_start3A_22 = tpu.memref_slice %arg8[%dma_start3A_21] : memref<512xi32, #tpu.memory_space<vmem>> -> memref<128xi32, #tpu.memory_space<vmem>>
    %dma_start3A_23 = arith.constant 0 : i32
    %dma_start3A_24 = arith.constant 0 : i32
    %dma_start3A_25 = tpu.memref_slice %arg4[%dma_start3A_23, %dma_start3A_24] : memref<100000x128xf32, #tpu.memory_space<hbm>> -> memref<100000x128xf32, #tpu.memory_space<hbm>>
    tpu.enqueue_indirect_dma source(%dma_start3A_25 : memref<100000x128xf32, #tpu.memory_space<hbm>>) target(%dma_start3A_20 : memref<128x128xf32, #tpu.memory_space<vmem>>) offsets(%dma_start3A_22 : memref<128xi32, #tpu.memory_space<vmem>>) semaphore(%arg16 : memref<!tpu.dma_semaphore, #tpu.memory_space<semaphore_mem>>)
    %dma_start3A_26 = arith.constant 384 : i32
    %dma_start3A_27 = arith.constant 0 : i32
    %dma_start3A_28 = tpu.memref_slice %arg9[%dma_start3A_26, %dma_start3A_27] : memref<512x128xf32, #tpu.memory_space<vmem>> -> memref<128x128xf32, #tpu.memory_space<vmem>>
    %dma_start3A_29 = arith.constant 384 : i32
    %dma_start3A_30 = tpu.memref_slice %arg8[%dma_start3A_29] : memref<512xi32, #tpu.memory_space<vmem>> -> memref<128xi32, #tpu.memory_space<vmem>>
    %dma_start3A_31 = arith.constant 0 : i32
    %dma_start3A_32 = arith.constant 0 : i32
    %dma_start3A_33 = tpu.memref_slice %arg4[%dma_start3A_31, %dma_start3A_32] : memref<100000x128xf32, #tpu.memory_space<hbm>> -> memref<100000x128xf32, #tpu.memory_space<hbm>>
    tpu.enqueue_indirect_dma source(%dma_start3A_33 : memref<100000x128xf32, #tpu.memory_space<hbm>>) target(%dma_start3A_28 : memref<128x128xf32, #tpu.memory_space<vmem>>) offsets(%dma_start3A_30 : memref<128xi32, #tpu.memory_space<vmem>>) semaphore(%arg17 : memref<!tpu.dma_semaphore, #tpu.memory_space<semaphore_mem>>)
    %dma_wait3A = arith.constant 0 : i32
    %dma_wait3A_34 = arith.constant 0 : i32
    %dma_wait3A_35 = tpu.memref_slice %arg9[%dma_wait3A, %dma_wait3A_34] : memref<512x128xf32, #tpu.memory_space<vmem>> -> memref<128x128xf32, #tpu.memory_space<vmem>>
    %dma_wait3A_36 = arith.constant 0 : i32
    %dma_wait3A_37 = tpu.memref_slice %arg8[%dma_wait3A_36] : memref<512xi32, #tpu.memory_space<vmem>> -> memref<128xi32, #tpu.memory_space<vmem>>
    %dma_wait3A_38 = arith.constant 0 : i32
    %dma_wait3A_39 = arith.constant 0 : i32
    %dma_wait3A_40 = tpu.memref_slice %arg4[%dma_wait3A_38, %dma_wait3A_39] : memref<100000x128xf32, #tpu.memory_space<hbm>> -> memref<100000x128xf32, #tpu.memory_space<hbm>>
    tpu.wait_indirect_dma semaphore(%arg14 : memref<!tpu.dma_semaphore, #tpu.memory_space<semaphore_mem>>) src(%dma_wait3A_40 : memref<100000x128xf32, #tpu.memory_space<hbm>>) dst(%dma_wait3A_35 : memref<128x128xf32, #tpu.memory_space<vmem>>)
    %add3A_41 = arith.constant 0 : i32
    %add3A_42 = arith.addi %mul3A_2, %add3A_41 : i32
    %dma_start3A_43 = arith.constant 0 : i32
    %dma_start3A_44 = arith.constant 0 : i32
    %dma_start3A_45 = tpu.memref_slice %arg9[%dma_start3A_43, %dma_start3A_44] : memref<512x128xf32, #tpu.memory_space<vmem>> -> memref<128x128xf32, #tpu.memory_space<vmem>>
    %dma_start3A_46 = arith.constant 0 : i32
    %dma_start3A_47 = tpu.memref_slice %arg6[%add3A_42, %dma_start3A_46] : memref<16384x128xf32, #tpu.memory_space<hbm>> -> memref<128x128xf32, #tpu.memory_space<hbm>>
    %dma_start3A_48 = arith.constant 0 : i32
    %dma_start3A_49 = tpu.memref_slice %arg6[%add3A_42, %dma_start3A_48] : memref<16384x128xf32, #tpu.memory_space<hbm>> -> memref<128x128xf32, #tpu.memory_space<hbm>>
    %dma_start3A_50 = arith.constant 0 : i32
    %dma_start3A_51 = arith.constant 0 : i32
    %dma_start3A_52 = tpu.memref_slice %arg9[%dma_start3A_50, %dma_start3A_51] : memref<512x128xf32, #tpu.memory_space<vmem>> -> memref<128x128xf32, #tpu.memory_space<vmem>>
    tpu.enqueue_dma source(%dma_start3A_52 : memref<128x128xf32, #tpu.memory_space<vmem>>) target(%dma_start3A_49 : memref<128x128xf32, #tpu.memory_space<hbm>>) target_semaphore(%arg13 : memref<!tpu.dma_semaphore, #tpu.memory_space<semaphore_mem>>)
    %dma_wait3A_53 = arith.constant 128 : i32
    %dma_wait3A_54 = arith.constant 0 : i32
    %dma_wait3A_55 = tpu.memref_slice %arg9[%dma_wait3A_53, %dma_wait3A_54] : memref<512x128xf32, #tpu.memory_space<vmem>> -> memref<128x128xf32, #tpu.memory_space<vmem>>
    %dma_wait3A_56 = arith.constant 128 : i32
    %dma_wait3A_57 = tpu.memref_slice %arg8[%dma_wait3A_56] : memref<512xi32, #tpu.memory_space<vmem>> -> memref<128xi32, #tpu.memory_space<vmem>>
    %dma_wait3A_58 = arith.constant 0 : i32
    %dma_wait3A_59 = arith.constant 0 : i32
    %dma_wait3A_60 = tpu.memref_slice %arg4[%dma_wait3A_58, %dma_wait3A_59] : memref<100000x128xf32, #tpu.memory_space<hbm>> -> memref<100000x128xf32, #tpu.memory_space<hbm>>
    tpu.wait_indirect_dma semaphore(%arg15 : memref<!tpu.dma_semaphore, #tpu.memory_space<semaphore_mem>>) src(%dma_wait3A_60 : memref<100000x128xf32, #tpu.memory_space<hbm>>) dst(%dma_wait3A_55 : memref<128x128xf32, #tpu.memory_space<vmem>>)
    %add3A_61 = arith.constant 128 : i32
    %add3A_62 = arith.addi %mul3A_2, %add3A_61 : i32
    %dma_start3A_63 = arith.constant 128 : i32
    %dma_start3A_64 = arith.constant 0 : i32
    %dma_start3A_65 = tpu.memref_slice %arg9[%dma_start3A_63, %dma_start3A_64] : memref<512x128xf32, #tpu.memory_space<vmem>> -> memref<128x128xf32, #tpu.memory_space<vmem>>
    %dma_start3A_66 = arith.constant 0 : i32
    %dma_start3A_67 = tpu.memref_slice %arg6[%add3A_62, %dma_start3A_66] : memref<16384x128xf32, #tpu.memory_space<hbm>> -> memref<128x128xf32, #tpu.memory_space<hbm>>
    %dma_start3A_68 = arith.constant 0 : i32
    %dma_start3A_69 = tpu.memref_slice %arg6[%add3A_62, %dma_start3A_68] : memref<16384x128xf32, #tpu.memory_space<hbm>> -> memref<128x128xf32, #tpu.memory_space<hbm>>
    %dma_start3A_70 = arith.constant 128 : i32
    %dma_start3A_71 = arith.constant 0 : i32
    %dma_start3A_72 = tpu.memref_slice %arg9[%dma_start3A_70, %dma_start3A_71] : memref<512x128xf32, #tpu.memory_space<vmem>> -> memref<128x128xf32, #tpu.memory_space<vmem>>
    tpu.enqueue_dma source(%dma_start3A_72 : memref<128x128xf32, #tpu.memory_space<vmem>>) target(%dma_start3A_69 : memref<128x128xf32, #tpu.memory_space<hbm>>) target_semaphore(%arg13 : memref<!tpu.dma_semaphore, #tpu.memory_space<semaphore_mem>>)
    %dma_wait3A_73 = arith.constant 256 : i32
    %dma_wait3A_74 = arith.constant 0 : i32
    %dma_wait3A_75 = tpu.memref_slice %arg9[%dma_wait3A_73, %dma_wait3A_74] : memref<512x128xf32, #tpu.memory_space<vmem>> -> memref<128x128xf32, #tpu.memory_space<vmem>>
    %dma_wait3A_76 = arith.constant 256 : i32
    %dma_wait3A_77 = tpu.memref_slice %arg8[%dma_wait3A_76] : memref<512xi32, #tpu.memory_space<vmem>> -> memref<128xi32, #tpu.memory_space<vmem>>
    %dma_wait3A_78 = arith.constant 0 : i32
    %dma_wait3A_79 = arith.constant 0 : i32
    %dma_wait3A_80 = tpu.memref_slice %arg4[%dma_wait3A_78, %dma_wait3A_79] : memref<100000x128xf32, #tpu.memory_space<hbm>> -> memref<100000x128xf32, #tpu.memory_space<hbm>>
    tpu.wait_indirect_dma semaphore(%arg16 : memref<!tpu.dma_semaphore, #tpu.memory_space<semaphore_mem>>) src(%dma_wait3A_80 : memref<100000x128xf32, #tpu.memory_space<hbm>>) dst(%dma_wait3A_75 : memref<128x128xf32, #tpu.memory_space<vmem>>)
    %add3A_81 = arith.constant 256 : i32
    %add3A_82 = arith.addi %mul3A_2, %add3A_81 : i32
    %dma_start3A_83 = arith.constant 256 : i32
    %dma_start3A_84 = arith.constant 0 : i32
    %dma_start3A_85 = tpu.memref_slice %arg9[%dma_start3A_83, %dma_start3A_84] : memref<512x128xf32, #tpu.memory_space<vmem>> -> memref<128x128xf32, #tpu.memory_space<vmem>>
    %dma_start3A_86 = arith.constant 0 : i32
    %dma_start3A_87 = tpu.memref_slice %arg6[%add3A_82, %dma_start3A_86] : memref<16384x128xf32, #tpu.memory_space<hbm>> -> memref<128x128xf32, #tpu.memory_space<hbm>>
    %dma_start3A_88 = arith.constant 0 : i32
    %dma_start3A_89 = tpu.memref_slice %arg6[%add3A_82, %dma_start3A_88] : memref<16384x128xf32, #tpu.memory_space<hbm>> -> memref<128x128xf32, #tpu.memory_space<hbm>>
    %dma_start3A_90 = arith.constant 256 : i32
    %dma_start3A_91 = arith.constant 0 : i32
    %dma_start3A_92 = tpu.memref_slice %arg9[%dma_start3A_90, %dma_start3A_91] : memref<512x128xf32, #tpu.memory_space<vmem>> -> memref<128x128xf32, #tpu.memory_space<vmem>>
    tpu.enqueue_dma source(%dma_start3A_92 : memref<128x128xf32, #tpu.memory_space<vmem>>) target(%dma_start3A_89 : memref<128x128xf32, #tpu.memory_space<hbm>>) target_semaphore(%arg13 : memref<!tpu.dma_semaphore, #tpu.memory_space<semaphore_mem>>)
    %dma_wait3A_93 = arith.constant 384 : i32
    %dma_wait3A_94 = arith.constant 0 : i32
    %dma_wait3A_95 = tpu.memref_slice %arg9[%dma_wait3A_93, %dma_wait3A_94] : memref<512x128xf32, #tpu.memory_space<vmem>> -> memref<128x128xf32, #tpu.memory_space<vmem>>
    %dma_wait3A_96 = arith.constant 384 : i32
    %dma_wait3A_97 = tpu.memref_slice %arg8[%dma_wait3A_96] : memref<512xi32, #tpu.memory_space<vmem>> -> memref<128xi32, #tpu.memory_space<vmem>>
    %dma_wait3A_98 = arith.constant 0 : i32
    %dma_wait3A_99 = arith.constant 0 : i32
    %dma_wait3A_100 = tpu.memref_slice %arg4[%dma_wait3A_98, %dma_wait3A_99] : memref<100000x128xf32, #tpu.memory_space<hbm>> -> memref<100000x128xf32, #tpu.memory_space<hbm>>
    tpu.wait_indirect_dma semaphore(%arg17 : memref<!tpu.dma_semaphore, #tpu.memory_space<semaphore_mem>>) src(%dma_wait3A_100 : memref<100000x128xf32, #tpu.memory_space<hbm>>) dst(%dma_wait3A_95 : memref<128x128xf32, #tpu.memory_space<vmem>>)
    %add3A_101 = arith.constant 384 : i32
    %add3A_102 = arith.addi %mul3A_2, %add3A_101 : i32
    %dma_start3A_103 = arith.constant 384 : i32
    %dma_start3A_104 = arith.constant 0 : i32
    %dma_start3A_105 = tpu.memref_slice %arg9[%dma_start3A_103, %dma_start3A_104] : memref<512x128xf32, #tpu.memory_space<vmem>> -> memref<128x128xf32, #tpu.memory_space<vmem>>
    %dma_start3A_106 = arith.constant 0 : i32
    %dma_start3A_107 = tpu.memref_slice %arg6[%add3A_102, %dma_start3A_106] : memref<16384x128xf32, #tpu.memory_space<hbm>> -> memref<128x128xf32, #tpu.memory_space<hbm>>
    %dma_start3A_108 = arith.constant 0 : i32
    %dma_start3A_109 = tpu.memref_slice %arg6[%add3A_102, %dma_start3A_108] : memref<16384x128xf32, #tpu.memory_space<hbm>> -> memref<128x128xf32, #tpu.memory_space<hbm>>
    %dma_start3A_110 = arith.constant 384 : i32
    %dma_start3A_111 = arith.constant 0 : i32
    %dma_start3A_112 = tpu.memref_slice %arg9[%dma_start3A_110, %dma_start3A_111] : memref<512x128xf32, #tpu.memory_space<vmem>> -> memref<128x128xf32, #tpu.memory_space<vmem>>
    tpu.enqueue_dma source(%dma_start3A_112 : memref<128x128xf32, #tpu.memory_space<vmem>>) target(%dma_start3A_109 : memref<128x128xf32, #tpu.memory_space<hbm>>) target_semaphore(%arg13 : memref<!tpu.dma_semaphore, #tpu.memory_space<semaphore_mem>>)
    %lt3A = arith.constant 16 : i32
    %lt3A_113 = arith.cmpi slt, %add3A, %lt3A : i32
    %convert_element_type3A = arith.extui %lt3A_113 : i1 to i32
    %cond3A = arith.constant 0 : i32
    %cond3A_114 = arith.cmpi ne, %convert_element_type3A, %cond3A : i32
    scf.if %cond3A_114 {
      %mul3A_155 = arith.constant 8 : i32
      %mul3A_156 = arith.muli %add3A, %mul3A_155 : i32
      "tpu.region"() ({
        %run_scoped3A = tpu.sem_alloc : memref<!tpu.dma_semaphore, #tpu.memory_space<semaphore_mem>>
        %dma_start3A_165 = tpu.memref_slice %arg3[%mul3A_156] : memref<128xi32, #tpu.memory_space<hbm>> -> memref<8xi32, #tpu.memory_space<hbm>>
        %dma_start3A_166 = tpu.memref_slice %arg3[%mul3A_156] : memref<128xi32, #tpu.memory_space<hbm>> -> memref<8xi32, #tpu.memory_space<hbm>>
        tpu.enqueue_dma source(%dma_start3A_166 : memref<8xi32, #tpu.memory_space<hbm>>) target(%arg10 : memref<8xi32, #tpu.memory_space<vmem>>) target_semaphore(%run_scoped3A : memref<!tpu.dma_semaphore, #tpu.memory_space<semaphore_mem>>)
        %dma_wait3A_167 = tpu.memref_slice %arg3[%mul3A_156] : memref<128xi32, #tpu.memory_space<hbm>> -> memref<8xi32, #tpu.memory_space<hbm>>
        %dma_wait3A_168 = tpu.memref_slice %arg3[%mul3A_156] : memref<128xi32, #tpu.memory_space<hbm>> -> memref<8xi32, #tpu.memory_space<hbm>>
        tpu.wait_dma2 semaphore(%run_scoped3A : memref<!tpu.dma_semaphore, #tpu.memory_space<semaphore_mem>>) src(%dma_wait3A_168 : memref<8xi32, #tpu.memory_space<hbm>>) dst(%arg10 : memref<8xi32, #tpu.memory_space<vmem>>)
        tpu.yield
      }) : () -> ()
      %dma_start3A_157 = arith.constant 0 : i32
      %dma_start3A_158 = arith.constant 0 : i32
      %dma_start3A_159 = tpu.memref_slice %arg5[%dma_start3A_157, %dma_start3A_158] : memref<100000x128xf32, #tpu.memory_space<hbm>> -> memref<100000x128xf32, #tpu.memory_space<hbm>>
      tpu.enqueue_indirect_dma source(%dma_start3A_159 : memref<100000x128xf32, #tpu.memory_space<hbm>>) target(%arg11 : memref<8x128xf32, #tpu.memory_space<vmem>>) offsets(%arg10 : memref<8xi32, #tpu.memory_space<vmem>>) semaphore(%arg12 : memref<!tpu.dma_semaphore, #tpu.memory_space<semaphore_mem>>)
      %dma_wait3A_160 = arith.constant 0 : i32
      %dma_wait3A_161 = arith.constant 0 : i32
      %dma_wait3A_162 = tpu.memref_slice %arg5[%dma_wait3A_160, %dma_wait3A_161] : memref<100000x128xf32, #tpu.memory_space<hbm>> -> memref<100000x128xf32, #tpu.memory_space<hbm>>
      tpu.wait_indirect_dma semaphore(%arg12 : memref<!tpu.dma_semaphore, #tpu.memory_space<semaphore_mem>>) src(%dma_wait3A_162 : memref<100000x128xf32, #tpu.memory_space<hbm>>) dst(%arg11 : memref<8x128xf32, #tpu.memory_space<vmem>>)
      %mul3A_163 = arith.constant 8 : i32
      %mul3A_164 = arith.muli %add3A, %mul3A_163 : i32
      "tpu.region"() ({
        %run_scoped3A = tpu.sem_alloc : memref<!tpu.dma_semaphore, #tpu.memory_space<semaphore_mem>>
        %dma_start3A_165 = arith.constant 0 : i32
        %dma_start3A_166 = tpu.memref_slice %arg7[%mul3A_164, %dma_start3A_165] : memref<128x128xf32, #tpu.memory_space<hbm>> -> memref<8x128xf32, #tpu.memory_space<hbm>>
        %dma_start3A_167 = arith.constant 0 : i32
        %dma_start3A_168 = tpu.memref_slice %arg7[%mul3A_164, %dma_start3A_167] : memref<128x128xf32, #tpu.memory_space<hbm>> -> memref<8x128xf32, #tpu.memory_space<hbm>>
        tpu.enqueue_dma source(%arg11 : memref<8x128xf32, #tpu.memory_space<vmem>>) target(%dma_start3A_168 : memref<8x128xf32, #tpu.memory_space<hbm>>) target_semaphore(%run_scoped3A : memref<!tpu.dma_semaphore, #tpu.memory_space<semaphore_mem>>)
        %dma_wait3A_169 = arith.constant 0 : i32
        %dma_wait3A_170 = tpu.memref_slice %arg7[%mul3A_164, %dma_wait3A_169] : memref<128x128xf32, #tpu.memory_space<hbm>> -> memref<8x128xf32, #tpu.memory_space<hbm>>
        %dma_wait3A_171 = arith.constant 0 : i32
        %dma_wait3A_172 = tpu.memref_slice %arg7[%mul3A_164, %dma_wait3A_171] : memref<128x128xf32, #tpu.memory_space<hbm>> -> memref<8x128xf32, #tpu.memory_space<hbm>>
        tpu.wait_dma2 semaphore(%run_scoped3A : memref<!tpu.dma_semaphore, #tpu.memory_space<semaphore_mem>>) src(%arg11 : memref<8x128xf32, #tpu.memory_space<vmem>>) dst(%dma_wait3A_172 : memref<8x128xf32, #tpu.memory_space<hbm>>)
        tpu.yield
      }) : () -> ()
    } else {
    }
    %dma_wait3A_115 = arith.constant 0 : i32
    %dma_wait3A_116 = arith.constant 0 : i32
    %dma_wait3A_117 = tpu.memref_slice %arg9[%dma_wait3A_115, %dma_wait3A_116] : memref<512x128xf32, #tpu.memory_space<vmem>> -> memref<128x128xf32, #tpu.memory_space<vmem>>
    %dma_wait3A_118 = arith.constant 0 : i32
    %dma_wait3A_119 = tpu.memref_slice %arg6[%add3A_42, %dma_wait3A_118] : memref<16384x128xf32, #tpu.memory_space<hbm>> -> memref<128x128xf32, #tpu.memory_space<hbm>>
    %dma_wait3A_120 = arith.constant 0 : i32
    %dma_wait3A_121 = tpu.memref_slice %arg6[%add3A_42, %dma_wait3A_120] : memref<16384x128xf32, #tpu.memory_space<hbm>> -> memref<128x128xf32, #tpu.memory_space<hbm>>
    %dma_wait3A_122 = arith.constant 0 : i32
    %dma_wait3A_123 = arith.constant 0 : i32
    %dma_wait3A_124 = tpu.memref_slice %arg9[%dma_wait3A_122, %dma_wait3A_123] : memref<512x128xf32, #tpu.memory_space<vmem>> -> memref<128x128xf32, #tpu.memory_space<vmem>>
    tpu.wait_dma2 semaphore(%arg13 : memref<!tpu.dma_semaphore, #tpu.memory_space<semaphore_mem>>) src(%dma_wait3A_124 : memref<128x128xf32, #tpu.memory_space<vmem>>) dst(%dma_wait3A_121 : memref<128x128xf32, #tpu.memory_space<hbm>>)
    %dma_wait3A_125 = arith.constant 128 : i32
    %dma_wait3A_126 = arith.constant 0 : i32
    %dma_wait3A_127 = tpu.memref_slice %arg9[%dma_wait3A_125, %dma_wait3A_126] : memref<512x128xf32, #tpu.memory_space<vmem>> -> memref<128x128xf32, #tpu.memory_space<vmem>>
    %dma_wait3A_128 = arith.constant 0 : i32
    %dma_wait3A_129 = tpu.memref_slice %arg6[%add3A_62, %dma_wait3A_128] : memref<16384x128xf32, #tpu.memory_space<hbm>> -> memref<128x128xf32, #tpu.memory_space<hbm>>
    %dma_wait3A_130 = arith.constant 0 : i32
    %dma_wait3A_131 = tpu.memref_slice %arg6[%add3A_62, %dma_wait3A_130] : memref<16384x128xf32, #tpu.memory_space<hbm>> -> memref<128x128xf32, #tpu.memory_space<hbm>>
    %dma_wait3A_132 = arith.constant 128 : i32
    %dma_wait3A_133 = arith.constant 0 : i32
    %dma_wait3A_134 = tpu.memref_slice %arg9[%dma_wait3A_132, %dma_wait3A_133] : memref<512x128xf32, #tpu.memory_space<vmem>> -> memref<128x128xf32, #tpu.memory_space<vmem>>
    tpu.wait_dma2 semaphore(%arg13 : memref<!tpu.dma_semaphore, #tpu.memory_space<semaphore_mem>>) src(%dma_wait3A_134 : memref<128x128xf32, #tpu.memory_space<vmem>>) dst(%dma_wait3A_131 : memref<128x128xf32, #tpu.memory_space<hbm>>)
    %dma_wait3A_135 = arith.constant 256 : i32
    %dma_wait3A_136 = arith.constant 0 : i32
    %dma_wait3A_137 = tpu.memref_slice %arg9[%dma_wait3A_135, %dma_wait3A_136] : memref<512x128xf32, #tpu.memory_space<vmem>> -> memref<128x128xf32, #tpu.memory_space<vmem>>
    %dma_wait3A_138 = arith.constant 0 : i32
    %dma_wait3A_139 = tpu.memref_slice %arg6[%add3A_82, %dma_wait3A_138] : memref<16384x128xf32, #tpu.memory_space<hbm>> -> memref<128x128xf32, #tpu.memory_space<hbm>>
    %dma_wait3A_140 = arith.constant 0 : i32
    %dma_wait3A_141 = tpu.memref_slice %arg6[%add3A_82, %dma_wait3A_140] : memref<16384x128xf32, #tpu.memory_space<hbm>> -> memref<128x128xf32, #tpu.memory_space<hbm>>
    %dma_wait3A_142 = arith.constant 256 : i32
    %dma_wait3A_143 = arith.constant 0 : i32
    %dma_wait3A_144 = tpu.memref_slice %arg9[%dma_wait3A_142, %dma_wait3A_143] : memref<512x128xf32, #tpu.memory_space<vmem>> -> memref<128x128xf32, #tpu.memory_space<vmem>>
    tpu.wait_dma2 semaphore(%arg13 : memref<!tpu.dma_semaphore, #tpu.memory_space<semaphore_mem>>) src(%dma_wait3A_144 : memref<128x128xf32, #tpu.memory_space<vmem>>) dst(%dma_wait3A_141 : memref<128x128xf32, #tpu.memory_space<hbm>>)
    %dma_wait3A_145 = arith.constant 384 : i32
    %dma_wait3A_146 = arith.constant 0 : i32
    %dma_wait3A_147 = tpu.memref_slice %arg9[%dma_wait3A_145, %dma_wait3A_146] : memref<512x128xf32, #tpu.memory_space<vmem>> -> memref<128x128xf32, #tpu.memory_space<vmem>>
    %dma_wait3A_148 = arith.constant 0 : i32
    %dma_wait3A_149 = tpu.memref_slice %arg6[%add3A_102, %dma_wait3A_148] : memref<16384x128xf32, #tpu.memory_space<hbm>> -> memref<128x128xf32, #tpu.memory_space<hbm>>
    %dma_wait3A_150 = arith.constant 0 : i32
    %dma_wait3A_151 = tpu.memref_slice %arg6[%add3A_102, %dma_wait3A_150] : memref<16384x128xf32, #tpu.memory_space<hbm>> -> memref<128x128xf32, #tpu.memory_space<hbm>>
    %dma_wait3A_152 = arith.constant 384 : i32
    %dma_wait3A_153 = arith.constant 0 : i32
    %dma_wait3A_154 = tpu.memref_slice %arg9[%dma_wait3A_152, %dma_wait3A_153] : memref<512x128xf32, #tpu.memory_space<vmem>> -> memref<128x128xf32, #tpu.memory_space<vmem>>
    tpu.wait_dma2 semaphore(%arg13 : memref<!tpu.dma_semaphore, #tpu.memory_space<semaphore_mem>>) src(%dma_wait3A_154 : memref<128x128xf32, #tpu.memory_space<vmem>>) dst(%dma_wait3A_151 : memref<128x128xf32, #tpu.memory_space<hbm>>)
    return
  }
}

module attributes {stable_mosaic.version = 14 : i64} {
  func.func @mm_body(%arg0: i32, %arg1: memref<8192x128xf32, #tpu.memory_space<vmem>>, %arg2: memref<128x128xf32, #tpu.memory_space<vmem>>, %arg3: memref<8192x128xf32, #tpu.memory_space<vmem>>) attributes {dimension_semantics = [#tpu.dimension_semantics<arbitrary>], iteration_bounds = array<i64: 2>, scalar_prefetch = 0 : i64, scratch_operands = 0 : i64, tpu.core_type = #tpu.core_type<tc>, window_params = [{transform_indices = @transform_0, window_bounds = array<i64: 8192, 128>}, {pipeline_mode = #tpu.pipeline_mode<synchronous>, transform_indices = @transform_1, window_bounds = array<i64: 128, 128>}, {transform_indices = @transform_2, window_bounds = array<i64: 8192, 128>}]} {
    %get3A = arith.constant 0 : index
    %get3A_0 = arith.constant 0 : index
    %get3A_1 = vector.load %arg1[%get3A, %get3A_0] : memref<8192x128xf32, #tpu.memory_space<vmem>>, vector<8192x128xf32>
    %get3A_2 = arith.constant 0 : index
    %get3A_3 = arith.constant 0 : index
    %get3A_4 = vector.load %arg2[%get3A_2, %get3A_3] : memref<128x128xf32, #tpu.memory_space<vmem>>, vector<128x128xf32>
    %dot_general3A = arith.constant dense<0.000000e+00> : vector<8192x128xf32>
    %dot_general3A_5 = tpu.matmul %get3A_1, %get3A_4, %dot_general3A {dimension_numbers = #tpu.dot_dimension_numbers<[1], [0], [0], [1], [0, 0, 1, 1], [], []>, transpose_lhs_hint = false} : vector<8192x128xf32>, vector<128x128xf32>, vector<8192x128xf32> -> vector<8192x128xf32>
    %swap3A = arith.constant 0 : index
    %swap3A_6 = arith.constant 0 : index
    %swap3A_7 = vector.load %arg3[%swap3A, %swap3A_6] : memref<8192x128xf32, #tpu.memory_space<vmem>>, vector<8192x128xf32>
    tpu.vector_store %arg3[%swap3A, %swap3A_6], %dot_general3A_5 {strides = array<i32>} : memref<8192x128xf32, #tpu.memory_space<vmem>>, vector<8192x128xf32>,
    return
  }
  func.func @transform_0(%arg0: i32) -> (i32, i32) {
    %c0_i32 = arith.constant 0 : i32
    %c0_i32_0 = arith.constant 0 : i32
    return %arg0, %c0_i32 : i32, i32
  }
  func.func @transform_1(%arg0: i32) -> (i32, i32) {
    %c0_i32 = arith.constant 0 : i32
    %c0_i32_0 = arith.constant 0 : i32
    %c0_i32_1 = arith.constant 0 : i32
    return %c0_i32, %c0_i32_0 : i32, i32
  }
  func.func @transform_2(%arg0: i32) -> (i32, i32) {
    %c0_i32 = arith.constant 0 : i32
    %c0_i32_0 = arith.constant 0 : i32
    return %arg0, %c0_i32 : i32, i32
  }
}

</mosaic_0001>

<sc_bundles>
// kernel: kernel.4.cloned.1.call-start
scs
__scs_entry_jumppad:
0x0: {  	(pc) =	sbr.rel $0x88, $3  }
0x1: {  	(tag) =	ssettag $0x0;
	lr =	simm.s32 $0x1  }
0x2: {  	[smem:$0x3F9D] =	sst lr;
	_ =	strace $0xD0000000  }
0x3: {  	_ = 	snop  }
0x4: {  	_ = 	snop  }
0x5: {  	_ = 	snop  }
0x6: {  	_ = 	snop  }
0x7: {  	_ = 	snop  }
__scs_overlays_trampoline_lowered:
0x8: {  	[smem:$0x3FAC] =	sst s0  }
0x9: {  	[smem:$0x3FAD] =	sst s1  }
0xa: {  	[smem:$0x3FAE] =	sst s2  }
0xb: {  	[smem:$0x3FAF] =	sst s3  }
0xc: {  	[smem:$0x3FB0] =	sst s4  }
0xd: {  	[smem:$0x3FB1] =	sst s5  }
0xe: {  	[smem:$0x3FB2] =	sst s6  }
0xf: {  	[smem:$0x3FB3] =	sst s7  }
0x10: {  	[smem:$0x3FB4] =	sst s8  }
0x11: {  	[smem:$0x3FB5] =	sst s9;
	s0 =	simm.s32 @!p0 $0x0  }
0x12: {  	s1 =	sld [smem:$0x3F9B];
	s0 =	simm.s32 @p0 $0x1  }
0x13: {  	[smem:$0x3FB6] =	sst s0;
	s0 =	simm.s32 @!p1 $0x0  }
0x14: {  	s2 =	sld [smem:$0x3F9A];
	s0 =	simm.s32 @p1 $0x1  }
0x15: {  	[smem:$0x3FB7] =	sst s0;
	s0 =	simm.s32 @!p2 $0x0  }
0x16: {  	s3 =	sld [smem:$0x3FDB];
	s0 =	simm.s32 @p2 $0x1  }
0x17: {  	s4 =	simm.s32 $0x1BF5;
	[smem:$0x3FB9] =	sst s0  }
0x18: {  	s0 =	sld [smem:$0x3F9C];
	_ =	swait.ge [sflag:s4], $0x0  }
0x19: {  	s7 =	sld [smem:$0x3F9D]  }
0x1a: {  	s8 =	sadd.s32 $0xFFFFE003, lr  }
0x1b: {  	s9 =	sadd.s32 $0xFFFFFEF7, lr;
	s5 =	simm.s32 $0xFFFFFFFF;
	p2 =	slt.u32 s8, $0xFFFFF086  }
0x1c: {  	p1 =	slt.u32 s9, $0xF7A;
	s5 =	simm.s32 @!p2 $0x0  }
0x1d: {  	s5 =	simm.s32 @p1 $0x1;
	p0 =	seq.s32 s7, s2  }
0x1e: {  	s7 =	smul.u32 @!p0 $0xF7A, s2;
	p2 =	seq.s32 @!p0 s5, $0x0  }
0x1f: {  	s9 =	smul.u32 $0xF7A, s1;
	s8 =	simm.s32 @!p0 $0x1BF5;
	p2 =	por !p2, p0  }
0x20: {  	[sflag:s8] =	ssyncset.s32 @!p0 $0xFFFFF086;
	s6 =	sadd.s32 @!p0 s3, s7;
	s7 =	simm.s32 @!p0 $0x108  }
0x21: {  	s3 =	sadd.s32 s3, s9;
	s6 =	sadd.s32 @!p0 $0x88, s6;
	s7 =	simm.s32 @p2 $0x1082  }
0x22: {  	[simem:s7], [sflag:s8] =	dma.local @!p0 [hbm:s6], $0xF7A  }
0x23: {  	s9 =	sor.u32 $0xD0000000, s2;
	s6 =	simm.s32 $0x108;
	_ =	swait.ge @!p0 [sflag:s8], $0x0  }
0x24: {  	s3 =	sadd.s32 $0x88, s3;
	s6 =	simm.s32 @!p1 $0x1082;
	[sflag:s4] =	ssyncset.s32 $0xFFFFF086  }
0x25: {  	[simem:s6], [sflag:s4] =	dma.local [hbm:s3], $0xF7A  }
0x26: {  	[smem:$0x3F9D] =	sst s1;
	(tag) =	ssettag s2;
	_ =	strace s9  }
0x27: {  	s1 =	sld [smem:$0x3FAD]  }
0x28: {  	s2 =	sld [smem:$0x3FAE]  }
0x29: {  	s4 =	sld [smem:$0x3FB0]  }
0x2a: {  	p0 =	seq.s32 s5, $0x0;
	s5 =	sld [smem:$0x3FB1]  }
0x2b: {  	s6 =	sld [smem:$0x3FB2]  }
0x2c: {  	s7 =	sld [smem:$0x3FB3]  }
0x2d: {  	s3 =	simm.s32 $0x108;
	s8 =	sld [smem:$0x3FB4]  }
0x2e: {  	s3 =	simm.s32 @!p0 $0x1082;
	s9 =	sld [smem:$0x3FB5]  }
0x2f: {  	lr =	sadd.s32 s0, s3;
	s0 =	sld [smem:$0x3FAC]  }
0x30: {  	s3 =	sld [smem:$0x3FAF]  }
0x31: {  	[smem:$0x3FB8] =	sst s10  }
0x32: {  	s10 =	sld [smem:$0x3FB6];
	_ =	sdelay $0x3  }
0x33: {  	p0 =	seq.s32 s10, $0x1;
	s10 =	sld [smem:$0x3FB8];
	_ =	sdelay $0x3  }
0x34: {  	[smem:$0x3FB8] =	sst s10  }
0x35: {  	s10 =	sld [smem:$0x3FB7];
	_ =	sdelay $0x3  }
0x36: {  	p1 =	seq.s32 s10, $0x1;
	s10 =	sld [smem:$0x3FB8];
	_ =	sdelay $0x3  }
0x37: {  	[smem:$0x3FB8] =	sst s10  }
0x38: {  	s10 =	sld [smem:$0x3FB9]  }
0x39: {  	_ = 	snop;
	(pc) =	sbr.ind lr, $3  }
0x3a: {  	_ = 	snop  }
0x3b: {  	_ = 	snop  }
0x3c: {  	p2 =	seq.s32 s10, $0x1;
	s10 =	sld [smem:$0x3FB8]  }
0x3d: {  	_ =	shalt  }
0x3e: {  	_ =	shalt  }
0x3f: {  	_ =	shalt  }
0x40: {  	_ =	shalt  }
0x41: {  	_ =	shalt  }
0x42: {  	_ =	shalt  }
0x43: {  	_ =	shalt  }
0x44: {  	_ =	shalt  }
0x45: {  	_ =	shalt  }
0x46: {  	_ =	shalt  }
0x47: {  	_ =	shalt  }
0x48: {  	_ =	shalt  }
0x49: {  	_ =	shalt  }
0x4a: {  	_ =	shalt  }
0x4b: {  	_ =	shalt  }
0x4c: {  	_ =	shalt  }
0x4d: {  	_ =	shalt  }
0x4e: {  	_ =	shalt  }
0x4f: {  	_ =	shalt  }
0x50: {  	_ =	shalt  }
0x51: {  	_ =	shalt  }
0x52: {  	_ =	shalt  }
0x53: {  	_ =	shalt  }
0x54: {  	_ =	shalt  }
0x55: {  	_ =	shalt  }
0x56: {  	_ =	shalt  }
0x57: {  	_ =	shalt  }
0x58: {  	_ =	shalt  }
0x59: {  	_ =	shalt  }
0x5a: {  	_ =	shalt  }
0x5b: {  	_ =	shalt  }
0x5c: {  	_ =	shalt  }
0x5d: {  	_ =	shalt  }
0x5e: {  	_ =	shalt  }
0x5f: {  	_ =	shalt  }
0x60: {  	_ =	shalt  }
0x61: {  	_ =	shalt  }
0x62: {  	_ =	shalt  }
0x63: {  	_ =	shalt  }
0x64: {  	_ =	shalt  }
0x65: {  	_ =	shalt  }
0x66: {  	_ =	shalt  }
0x67: {  	_ =	shalt  }
0x68: {  	_ =	shalt  }
0x69: {  	_ =	shalt  }
0x6a: {  	_ =	shalt  }
0x6b: {  	_ =	shalt  }
0x6c: {  	_ =	shalt  }
0x6d: {  	_ =	shalt  }
0x6e: {  	_ =	shalt  }
0x6f: {  	_ =	shalt  }
0x70: {  	_ =	shalt  }
0x71: {  	_ =	shalt  }
0x72: {  	_ =	shalt  }
0x73: {  	_ =	shalt  }
0x74: {  	_ =	shalt  }
0x75: {  	_ =	shalt  }
0x76: {  	_ =	shalt  }
0x77: {  	_ =	shalt  }
0x78: {  	_ =	shalt  }
0x79: {  	_ =	shalt  }
0x7a: {  	_ =	shalt  }
0x7b: {  	_ =	shalt  }
0x7c: {  	_ =	shalt  }
0x7d: {  	_ =	shalt  }
0x7e: {  	_ =	shalt  }
0x7f: {  	_ =	shalt  }
0x80: {  	_ =	shalt  }
0x81: {  	_ =	shalt  }
0x82: {  	_ =	shalt  }
0x83: {  	_ =	shalt  }
0x84: {  	_ =	shalt  }
0x85: {  	_ =	shalt  }
0x86: {  	_ =	shalt  }
0x87: {  	_ =	shalt  }
.Lfunc_end0:
.L_simem_size_0:
called_computation_lowered:
.L_overlay_start_0:
0x88: {  	s2 =	sld [smem:$0x3FD9]  }
0x89: {  	s3 =	sld [smem:$0x3FFE];
	_ =	sdelay $0x1  }
0x8a: {  	s1 =	srdreg.scid  }
0x8b: {  	s0 =	sand.u32 $0x1, s1  }
0x8c: {  	s17 =	sshll.u32 s0, $0xA;
	s2 =	sadd.s32 s3, s2  }
0x8d: {  	s2 =	sadd.s32 s2, s17  }
0x8e: {  	[smem:$0x3FC4] =	sst s2  }
0x8f: {  	_ = 	snop  }
0x90: {  	s2 =	sld [smem:$0x3FC9]  }
0x91: {  	s18 =	sld [smem:$0x3FC8]  }
0x92: {  	s4 =	sld [smem:$0x3FC7]  }
0x93: {  	s5 =	sld [smem:$0x3FC6]  }
0x94: {  	s6 =	sld [smem:$0x3FD0];
	(tm) =	ssettm $0x1  }
0x95: {  	s7 =	sld [smem:$0x3FFB];
	_ =	sdelay $0x3  }
0x96: {  	_ =	strace s7  }
0x97: {  	s7 =	sld [smem:$0x3FFC];
	_ =	sdelay $0x3  }
0x98: {  	_ =	strace s7  }
0x99: {  	s7 =	sld [smem:$0x3FFD];
	_ =	sdelay $0x3  }
0x9a: {  	_ =	strace s7  }
0x9b: {  	_ =	strace $0x8FFFFFFF  }
0x9c: {  	s19 =	sld [smem:$0x3FDB];
	_ =	sdelay $0x1  }
0x9d: {  	s8 =	simm.s32 $_scs_section_size  }
0x9e: {  	s9 =	simm.s32 $_size__tile_overlayer_lowered;
	s10 =	simm.s32 $_tile_overlayer_lowered  }
0x9f: {  	s22 =	simm.s32 $0x1BFF;
	s21 =	sshll.u32 s10, $0x1;
	s7 =	sadd.s32 s8, s19  }
0xa0: {  	s11 =	simm.s32 $0x0;
	s20 =	sshll.u32 s9, $0x1;
	s9 =	sadd.s32 s21, s7  }
0xa1: {  	[timem:s11], [sflag:s22] =	dma.local [hbm:s9], s20  }
0xa2: {  	_ =	swait.ge [sflag:s22], s20  }
0xa3: {  	s8 =	ssub.s32 $0x0, s20;
	[sflag:s22] =	ssyncset.done $0x0  }
0xa4: {  	[sflag:s22] =	ssyncadd.s32 s8;
	_ =	sdelay $0x1  }
0xa5: {  	s23 =	simm.s32 $0x1B8B  }
0xa6: {  	_ =	swait.ge [sflag:s23], $0x1  }
0xa7: {  	[sflag:s23] =	ssyncset.done $0x0  }
0xa8: {  	s25 =	simm.s32 $0x1B8E;
	s24 =	sld [smem:$0x3FFE];
	[sflag:s23] =	ssyncadd.s32 $0xFFFFFFFF  }
0xa9: {  	s26 =	simm.s32 $execute0_lowered;
	[smem:$0x3FD2] =	sst s25  }
0xaa: {  	s9 =	sshll.u32 s26, $0x1;
	_ =	strace $0x80000046;
	[dreg:$0x1] =	wrdreg $0xFFFFFFFF  }
0xab: {  	s28 =	simm.s32 $_size_execute0_lowered;
	s7 =	sadd.s32 s7, s9;
	[dreg:$0x0] =	wrdreg $0x0  }
0xac: {  	s9 =	sshll.u32 s28, $0x1;
	[dreg:$0x2] =	wrdreg s7  }
0xad: {  	[dreg:$0x3] =	wrdreg s9  }
0xae: {  	[dreg:$0x4] =	wrdreg $0xC0  }
0xaf: {  	_ =	task [dreg:s11], $0x5FFFF  }
0xb0: {  	[dreg:$0x1] =	wrdreg $0xFFFFFFFF  }
0xb1: {  	[dreg:$0x0] =	wrdreg $0x60  }
0xb2: {  	[dreg:$0x2] =	wrdreg s2  }
0xb3: {  	[dreg:$0x3] =	wrdreg s18  }
0xb4: {  	[dreg:$0x4] =	wrdreg s4  }
0xb5: {  	[dreg:$0x5] =	wrdreg s5  }
0xb6: {  	[dreg:$0x6] =	wrdreg s6  }
0xb7: {  	[dreg:$0x7] =	wrdreg s24  }
0xb8: {  	[dreg:$0x8] =	wrdreg $0x9  }
0xb9: {  	_ =	task.clear_ibuf [dreg:s11], $0x9FFFF;
	_ =	strace $0x90000046  }
0xba: {  	s29 =	simm.s32 $0x9;
	_ =	strace $0x80000048  }
0xbb: {  	_ =	swait.ge [sflag:s29], $0x1  }
0xbc: {  	[sflag:s29] =	ssyncadd.s32 $0xFFFFFFFF  }
0xbd: {  	_ =	strace $0x90000048  }
0xbe: {  	_ =	sfence  }
0xbf: {  	s30 =	sld [smem:$0x0];
	_ =	sdelay $0x2  }
0xc0: {  	s31 =	sshll.u32 s1, $0xD;
	s1 =	sshrl.u32 s1, $0x2  }
0xc1: {  	s3 =	sand.u32 $0x4000, s31;
	s1 =	sadd.s32 s1, s30  }
0xc2: {  	s0 =	sor.u32 s3, s0;
	s1 =	sshll.u32 s1, $0x11  }
0xc3: {  	s0 =	sor.u32 s1, s0  }
0xc4: {  	s0 =	sadd.s32 $0x8F2B, s0  }
0xc5: {  	[sflag:s0] =	ssyncadd.remote.s32 $0x1  }
0xc6: {  	_ =	sfence.sel $0xFFFF  }
0xc7: {  	[dreg:$0x0] =	wrdreg $0xFFFFFFFF;
	(pc) =	sbr.abs _section_cstart, $3  }
0xc8: {  	[dreg:$0x1] =	wrdreg $0xFFFFFFFF  }
0xc9: {  	_ =	task.clear_ibuf [dreg:s11], $0x2FFFF;
	_ =	strace $0x9FFFFFFF  }
0xca: {  	(tm) =	ssettm $0x7FFFFFFF  }
0xcb: {  	_ =	shalt  }
tec
execute0_lowered:
.L_overlay_start_1:
0x0: {  	(tag) =	ssettag $0x1  }
0x1: {  	s5 =	rddreg [dreg:$0x0]  }
0x2: {  	s22 =	rddreg [dreg:$0x1]  }
0x3: {  	s1 =	rddreg [dreg:$0x2]  }
0x4: {  	s3 =	rddreg [dreg:$0x3]  }
0x5: {  	s2 =	srdreg.scid;
	s0 =	stileid.u32  }
0x6: {  	s15 =	rddreg [dreg:$0x4];
	s2 =	sand.u32 $0x1, s2;
	s6 =	sshll.u32 s0, $0x1  }
0x7: {  	s30 =	rddreg [dreg:$0x5];
	s4 =	simm.s32 $0x0;
	s31 =	sor.u32 s2, s6  }
0x8: {  	[smem:$0x7FF] =	sst s4;
	s6 =	sshll.u32 s31, $0x6  }
0x9: {  	_ =	strace $0x80000047;
	s5 =	sadd.s32 s5, s6;
	s6 =	simm.s32 $0x7  }
0xa: {  	[tilespmem:s4], [sflag:$0x7] =	stream.linear.gather [hbm4b:s5+s4], $0x200, $0x38;
	[tilespmem:$0x10680] =	vst v63  }
0xb: {  	_ =	swait.ge [sflag:s6], $0x200  }
0xc: {  	[sflag:s6] =	ssyncset.done $0x0  }
0xd: {  	s7 =	simm.s32 $0x80;
	s8 =	simm.s32 $0x200;
	[sflag:s6] =	ssyncadd.s32 $0xFFFFFE00  }
0xe: {  	[tilespmem:s8], [sflag:$0x3] =	stream.indirect.gather [hbm4b:s1+s7], $0x80, s4, s7, $0xb8;
	[tilespmem:$0x10680] =	vst v63  }
0xf: {  	s9 =	simm.s32 $0x4200  }
0x10: {  	[tilespmem:s9], [sflag:$0x4] =	stream.indirect.gather [hbm4b:s1+s7], $0x80, s7, s7, $0xb8;
	[tilespmem:$0x10680] =	vst v63  }
0x11: {  	s10 =	simm.s32 $0x100;
	s11 =	simm.s32 $0x8200  }
0x12: {  	[tilespmem:s11], [sflag:$0x5] =	stream.indirect.gather [hbm4b:s1+s7], $0x80, s10, s7, $0xb8;
	[tilespmem:$0x10680] =	vst v63  }
0x13: {  	s12 =	simm.s32 $0x180;
	s13 =	simm.s32 $0xC200;
	s14 =	simm.s32 $0x3  }
0x14: {  	[tilespmem:s13], [sflag:$0x6] =	stream.indirect.gather [hbm4b:s1+s7], $0x80, s12, s7, $0xb8;
	[tilespmem:$0x10680] =	vst v63  }
0x15: {  	_ =	swait.ge [sflag:s14], $0x4000  }
0x16: {  	s16 =	sshll.u32 s31, $0xD;
	[sflag:s14] =	ssyncset.done $0x0  }
0x17: {  	s15 =	sadd.s32 s15, s16;
	s16 =	simm.s32 $0x4;
	[sflag:s14] =	ssyncadd.s32 $0xFFFFC000  }
0x18: {  	[hbm4b:s15+s4] =	stream.linear.scatter [tilespmem:s8], [sflag:$0x2], $0x4000, $0x38;
	[tilespmem:$0x10680] =	vst v63  }
0x19: {  	_ =	swait.ge [sflag:s16], $0x4000  }
0x1a: {  	[sflag:s16] =	ssyncset.done $0x0  }
0x1b: {  	s18 =	simm.s32 $0x5;
	s17 =	sadd.s32 $0x800, s15;
	[sflag:s16] =	ssyncadd.s32 $0xFFFFC000  }
0x1c: {  	[hbm4b:s17+s4] =	stream.linear.scatter [tilespmem:s9], [sflag:$0x2], $0x4000, $0x38;
	[tilespmem:$0x10680] =	vst v63  }
0x1d: {  	_ =	swait.ge [sflag:s18], $0x4000  }
0x1e: {  	[sflag:s18] =	ssyncset.done $0x0  }
0x1f: {  	s20 =	simm.s32 $0x6;
	s19 =	sadd.s32 $0x1000, s15;
	[sflag:s18] =	ssyncadd.s32 $0xFFFFC000  }
0x20: {  	[hbm4b:s19+s4] =	stream.linear.scatter [tilespmem:s11], [sflag:$0x2], $0x4000, $0x38;
	[tilespmem:$0x10680] =	vst v63  }
0x21: {  	_ =	swait.ge [sflag:s20], $0x4000  }
0x22: {  	p0 =	sgt.u32 s0, $0x7;
	[sflag:s20] =	ssyncset.done $0x0  }
0x23: {  	s23 =	simm.s32 @!p0 $0x0;
	s21 =	sadd.s32 $0x1800, s15;
	[sflag:s20] =	ssyncadd.s32 $0xFFFFC000  }
0x24: {  	[hbm4b:s21+s4] =	stream.linear.scatter [tilespmem:s13], [sflag:$0x2], $0x4000, $0x38;
	[tilespmem:$0x10680] =	vst v63  }
0x25: {  	s24 =	simm.s32 @!p0 $0x10200;
	s25 =	simm.s32 @!p0 $0x7;
	s22 =	sadd.s32 s22, s31  }
0x26: {  	[tilespmem:s24], [sflag:$0x7] =	stream.linear.gather @!p0 [hbm4b:s22+s23], $0x8, $0x38;
	[tilespmem:$0x10680] =	vst v63  }
0x27: {  	_ =	swait.ge @!p0 [sflag:s25], $0x8  }
0x28: {  	s26 =	simm.s32 @!p0 $0x8;
	[sflag:s25] =	ssyncset.done @!p0 $0x0  }
0x29: {  	s28 =	simm.s32 @!p0 $0x10280;
	s29 =	simm.s32 @!p0 $0x1;
	[sflag:s25] =	ssyncadd.s32 @!p0 $0xFFFFFFF8  }
0x2a: {  	[tilespmem:s28], [sflag:$0x1] =	stream.indirect.gather @!p0 [hbm4b:s3+s26], $0x80, s24, s26, $0xb8;
	[tilespmem:$0x10680] =	vst v63  }
0x2b: {  	s31 =	sshll.u32 s31, $0x7;
	_ =	swait.ge @!p0 [sflag:s29], $0x400  }
0x2c: {  	s30 =	sadd.s32 s31, s30;
	[sflag:s29] =	ssyncset.done @!p0 $0x0  }
0x2d: {  	s30 =	sadd.s32 $0xC00, s30;
	[sflag:s29] =	ssyncadd.s32 @!p0 $0xFFFFFC00  }
0x2e: {  	[hbm4b:s30+s23] =	stream.linear.scatter @!p0 [tilespmem:s28], [sflag:$0x7], $0x400, $0x38;
	[tilespmem:$0x10680] =	vst v63  }
0x2f: {  	_ =	swait.ge @!p0 [sflag:s25], $0x400  }
0x30: {  	[sflag:s25] =	ssyncset.done @!p0 $0x0  }
0x31: {  	s31 =	simm.s32 $0x2;
	[sflag:s25] =	ssyncadd.s32 @!p0 $0xFFFFFC00  }
0x32: {  	s2 =	ssub.s32 $0x2, s2;
	_ =	swait.ge [sflag:s31], $0x4000  }
0x33: {  	s0 =	sshrl.u32 s2, $0x1;
	[sflag:s31] =	ssyncset.done $0x0  }
0x34: {  	s0 =	ssub.s32 s2, s0;
	[sflag:s31] =	ssyncadd.s32 $0xFFFFC000  }
0x35: {  	s0 =	smax.u32 s0, $0x1;
	_ =	swait.ge [sflag:s31], $0x4000  }
0x36: {  	s2 =	sadd.s32 $0xFFFFFFFF, s0;
	[sflag:s31] =	ssyncset.done $0x0  }
0x37: {  	p1 =	sne.s32 s2, $0x0;
	[sflag:s31] =	ssyncadd.s32 $0xFFFFC000  }
.Ltmp0:
0x38: {  	_ =	swait.ge [sflag:s31], $0x4000;
	(pc) =	sbr.rel @!p1 .LBB2_2-.Ltmp0, $4  }
0x39: {  	[sflag:s31] =	ssyncset.done $0x0  }
0x3a: {  	[sflag:s31] =	ssyncadd.s32 $0xFFFFC000  }
0x3b: {  	_ =	swait.ge [sflag:s31], $0x4000  }
0x3c: {  	[sflag:s31] =	ssyncset.done $0x0  }
.LBB2_1:
0x3d: {  	s2 =	sadd.s32 $0xFFFFFFFF, s2;
	[sflag:s31] =	ssyncadd.s32 $0xFFFFC000  }
0x3e: {  	[tilespmem:s4], [sflag:$0x7] =	stream.linear.gather [hbm4b:s5+s4], $0x200, $0x38;
	[tilespmem:$0x10680] =	vst v63  }
0x3f: {  	p1 =	sne.s32 s2, $0x0;
	_ =	swait.ge [sflag:s6], $0x200  }
0x40: {  	[sflag:s6] =	ssyncset.done $0x0  }
0x41: {  	[sflag:s6] =	ssyncadd.s32 $0xFFFFFE00  }
0x42: {  	[tilespmem:s8], [sflag:$0x3] =	stream.indirect.gather [hbm4b:s1+s7], $0x80, s4, s7, $0xb8;
	[tilespmem:$0x10680] =	vst v63  }
0x43: {  	_ = 	snop  }
0x44: {  	[tilespmem:s9], [sflag:$0x4] =	stream.indirect.gather [hbm4b:s1+s7], $0x80, s7, s7, $0xb8;
	[tilespmem:$0x10680] =	vst v63  }
0x45: {  	_ = 	snop  }
0x46: {  	[tilespmem:s11], [sflag:$0x5] =	stream.indirect.gather [hbm4b:s1+s7], $0x80, s10, s7, $0xb8;
	[tilespmem:$0x10680] =	vst v63  }
0x47: {  	_ = 	snop  }
0x48: {  	[tilespmem:s13], [sflag:$0x6] =	stream.indirect.gather [hbm4b:s1+s7], $0x80, s12, s7, $0xb8;
	[tilespmem:$0x10680] =	vst v63  }
0x49: {  	_ =	swait.ge [sflag:s14], $0x4000  }
0x4a: {  	[sflag:s14] =	ssyncset.done $0x0  }
0x4b: {  	[sflag:s14] =	ssyncadd.s32 $0xFFFFC000  }
0x4c: {  	[hbm4b:s15+s4] =	stream.linear.scatter [tilespmem:s8], [sflag:$0x2], $0x4000, $0x38;
	[tilespmem:$0x10680] =	vst v63  }
0x4d: {  	_ =	swait.ge [sflag:s16], $0x4000  }
0x4e: {  	[sflag:s16] =	ssyncset.done $0x0  }
0x4f: {  	[sflag:s16] =	ssyncadd.s32 $0xFFFFC000  }
0x50: {  	[hbm4b:s17+s4] =	stream.linear.scatter [tilespmem:s9], [sflag:$0x2], $0x4000, $0x38;
	[tilespmem:$0x10680] =	vst v63  }
0x51: {  	_ =	swait.ge [sflag:s18], $0x4000  }
0x52: {  	[sflag:s18] =	ssyncset.done $0x0  }
0x53: {  	[sflag:s18] =	ssyncadd.s32 $0xFFFFC000  }
0x54: {  	[hbm4b:s19+s4] =	stream.linear.scatter [tilespmem:s11], [sflag:$0x2], $0x4000, $0x38;
	[tilespmem:$0x10680] =	vst v63  }
0x55: {  	_ =	swait.ge [sflag:s20], $0x4000  }
0x56: {  	[sflag:s20] =	ssyncset.done $0x0  }
0x57: {  	[sflag:s20] =	ssyncadd.s32 $0xFFFFC000  }
0x58: {  	[hbm4b:s21+s4] =	stream.linear.scatter [tilespmem:s13], [sflag:$0x2], $0x4000, $0x38;
	[tilespmem:$0x10680] =	vst v63  }
0x59: {  	_ = 	snop  }
0x5a: {  	[tilespmem:s24], [sflag:$0x7] =	stream.linear.gather @!p0 [hbm4b:s22+s23], $0x8, $0x38;
	[tilespmem:$0x10680] =	vst v63  }
0x5b: {  	_ =	swait.ge @!p0 [sflag:s25], $0x8  }
0x5c: {  	[sflag:s25] =	ssyncset.done @!p0 $0x0  }
0x5d: {  	[sflag:s25] =	ssyncadd.s32 @!p0 $0xFFFFFFF8  }
0x5e: {  	[tilespmem:s28], [sflag:$0x1] =	stream.indirect.gather @!p0 [hbm4b:s3+s26], $0x80, s24, s26, $0xb8;
	[tilespmem:$0x10680] =	vst v63  }
0x5f: {  	_ =	swait.ge @!p0 [sflag:s29], $0x400  }
0x60: {  	[sflag:s29] =	ssyncset.done @!p0 $0x0  }
0x61: {  	[sflag:s29] =	ssyncadd.s32 @!p0 $0xFFFFFC00  }
0x62: {  	[hbm4b:s30+s23] =	stream.linear.scatter @!p0 [tilespmem:s28], [sflag:$0x7], $0x400, $0x38;
	[tilespmem:$0x10680] =	vst v63  }
0x63: {  	_ =	swait.ge @!p0 [sflag:s25], $0x400  }
0x64: {  	[sflag:s25] =	ssyncset.done @!p0 $0x0  }
0x65: {  	[sflag:s25] =	ssyncadd.s32 @!p0 $0xFFFFFC00  }
0x66: {  	_ =	swait.ge [sflag:s31], $0x4000  }
0x67: {  	[sflag:s31] =	ssyncset.done $0x0  }
0x68: {  	[sflag:s31] =	ssyncadd.s32 $0xFFFFC000  }
0x69: {  	_ =	swait.ge [sflag:s31], $0x4000  }
0x6a: {  	[sflag:s31] =	ssyncset.done $0x0  }
0x6b: {  	[sflag:s31] =	ssyncadd.s32 $0xFFFFC000  }
.Ltmp1:
0x6c: {  	_ =	swait.ge [sflag:s31], $0x4000;
	(pc) =	sbr.rel @p1 .LBB2_1-.Ltmp1, $4  }
0x6d: {  	[sflag:s31] =	ssyncset.done $0x0  }
0x6e: {  	[sflag:s31] =	ssyncadd.s32 $0xFFFFC000  }
0x6f: {  	_ =	swait.ge [sflag:s31], $0x4000  }
0x70: {  	[sflag:s31] =	ssyncset.done $0x0  }
.LBB2_2:
0x71: {  	[sflag:s31] =	ssyncadd.s32 $0xFFFFC000  }
0x72: {  	_ =	sfence.sel $0x180000  }
0x73: {  	[bflag:$0x0] =	sbarrier.arrive $0xFFFF  }
0x74: {  	_ =	strace $0x90000047  }
0x75: {  	s0 =	stileid.u32;
	[bflag:$0x2] =	sbarrier.arrive $0xFFFF  }
0x76: {  	p0 =	sne.s32 s0, $0x0;
	s0 =	rddreg [dreg:$0x6]  }
0x77: {  	s0 =	sadd.s32 @!p0 $0x100000, s0  }
0x78: {  	[sflag:s0] =	ssyncadd.tile.s32 @!p0 $0x1;
	_ =	shalt  }
.Lfunc_end2:
_tile_overlayer_lowered:
.L_overlay_start_2:
0x79: {  	(tag) =	ssettag $0x2  }
0x7a: {  	s0 =	rddreg [dreg:$0x0];
	s2 =	stileid.u32  }
0x7b: {  	s1 =	rddreg [dreg:$0x1];
	p0 =	sne.s32 s2, $0x0  }
0x7c: {  	s3 =	rddreg [dreg:$0x2];
	[bflag:$0x3] =	sbarrier.arrive $0xFFFF;
	s2 =	simm.s32 @!p0 $0x1C07  }
0x7d: {  	[timem:s3], [sflag:s2] =	dma.local @!p0 [hbm:s0], s1  }
0x7e: {  	s0 =	simm.s32 @!p0 $0x7  }
0x7f: {  	_ =	swait.ge @!p0 [sflag:s0], s1  }
0x80: {  	s1 =	ssub.s32 @!p0 $0x0, s1;
	[sflag:s0] =	ssyncset.done @!p0 $0x0  }
0x81: {  	[sflag:s0] =	ssyncadd.s32 @!p0 s1  }
0x82: {  	[bflag:$0x3] =	sbarrier.arrive $0xFFFF  }
0x83: {  	_ =	shalt  }

</sc_bundles>
